<compile_context>
chip_gen: v7x
topology: tpu7x:2x2x1
jax: 0.10.2.dev20260603
libtpu: 0.0.44.dev20260713+nightly
codegen_flags: <defaults>
</compile_context>

<pallas_src>
import functools

import jax
import jax.numpy as jnp
from jax import lax
from jax.experimental import pallas as pl
from jax.experimental.pallas import tpu as pltpu
from jax.experimental.pallas import tpu_sc as plsc

N = 500
E = 2000
F = 128
NP = 512

NS = 16
EPW = 128


def _gather_body(h_hbm, ei_hbm, hrow_hbm, hcol_hbm,
                 idx_r, idx_c, hbuf_r, hbuf_c, sem_r, sem_c):
    wid = lax.axis_index("s")
    base = jnp.minimum(wid * EPW, E - EPW)
    ld_r = pltpu.async_copy(ei_hbm.at[pl.ds(base, EPW)], idx_r, sem_r)
    ld_c = pltpu.async_copy(ei_hbm.at[pl.ds(E + base, EPW)], idx_c, sem_c)
    ld_r.wait()
    cp_r = pltpu.async_copy(h_hbm.at[idx_r], hbuf_r, sem_r)
    ld_c.wait()
    cp_c = pltpu.async_copy(h_hbm.at[idx_c], hbuf_c, sem_c)
    cp_r.wait()
    wb_r = pltpu.async_copy(hbuf_r, hrow_hbm.at[pl.ds(base, EPW)], sem_r)
    cp_c.wait()
    wb_c = pltpu.async_copy(hbuf_c, hcol_hbm.at[pl.ds(base, EPW)], sem_c)
    wb_r.wait()
    wb_c.wait()


@functools.cache
def _gather_call():
    mesh = plsc.VectorSubcoreMesh(core_axis_name="c", subcore_axis_name="s",
                                  num_cores=1)
    return pl.kernel(
        _gather_body,
        mesh=mesh,
        out_type=(jax.ShapeDtypeStruct((E, F), jnp.float32),
                  jax.ShapeDtypeStruct((E, F), jnp.float32)),
        scratch_types=[
            pltpu.VMEM((EPW,), jnp.int32),
            pltpu.VMEM((EPW,), jnp.int32),
            pltpu.VMEM((EPW, F), jnp.float32),
            pltpu.VMEM((EPW, F), jnp.float32),
            pltpu.SemaphoreType.DMA,
            pltpu.SemaphoreType.DMA,
        ],
    )


def _dense_body(hrow_ref, hcol_ref, ei_ref,
                h_ref, cv_ref,
                w1_ref, b1_ref, w2_ref, b2_ref,
                wc1_ref, bc1_ref, wc2r_ref, bc2_ref,
                wn1_ref, bn1_ref, wn2_ref, bn2_ref,
                hout_ref, cvout_ref):
    f32 = jnp.float32
    bf16 = jnp.bfloat16
    hr = hrow_ref[...].astype(bf16)
    hc = hcol_ref[...].astype(bf16)

    rowv = ei_ref[0:1, :]
    colv = ei_ref[1:2, :]
    eiota = lax.broadcasted_iota(jnp.int32, (E, NP), 1)
    inc = (jnp.where(eiota == rowv.reshape(E, 1), 1.0, 0.0)
           - jnp.where(eiota == colv.reshape(E, 1), 1.0, 0.0))
    coord = cv_ref[:, :3]
    vel = cv_ref[:, 3:6]
    coordp = jnp.concatenate(
        [coord, jnp.zeros((N, 13), f32)], axis=1)
    coordp = jnp.concatenate(
        [coordp, jnp.zeros((NP - N, 16), f32)], axis=0)
    cd16 = jnp.dot(inc, coordp, preferred_element_type=f32)
    cd = cd16[:, :3]
    radial = jnp.sum(cd * cd, axis=1, keepdims=True)

    x = (jnp.dot(hr, w1_ref[:F, :].astype(bf16), preferred_element_type=f32)
         + jnp.dot(hc, w1_ref[F:2 * F, :].astype(bf16),
                   preferred_element_type=f32)
         + radial * w1_ref[2 * F:2 * F + 1, :]
         + b1_ref[...])
    x = jnp.maximum(x, 0.0).astype(bf16)
    ef = jnp.maximum(
        jnp.dot(x, w2_ref[...].astype(bf16), preferred_element_type=f32)
        + b2_ref[...], 0.0)
    efb = ef.astype(bf16)

    c1 = jnp.maximum(
        jnp.dot(efb, wc1_ref[...].astype(bf16), preferred_element_type=f32)
        + bc1_ref[...], 0.0)
    cm = jnp.sum(c1 * wc2r_ref[...], axis=1, keepdims=True) + bc2_ref[0, 0]
    trans = jnp.clip(cd * cm, -100.0, 100.0)

    ones = jnp.ones((E, 1), bf16)
    payload = jnp.concatenate([efb, trans.astype(bf16), ones], axis=1)

    niota = lax.broadcasted_iota(jnp.int32, (NP, E), 0)
    oh = jnp.where(niota == rowv, 1.0, 0.0).astype(bf16)
    agg = jnp.dot(oh, payload, preferred_element_type=f32)

    aggn = agg[:N, :F]
    ts = agg[:N, F:F + 3]
    cnt = agg[:N, F + 3:F + 4]
    aggc = ts / jnp.maximum(cnt, 1.0)

    v = vel + aggc * 0.125
    cvout_ref[...] = jnp.concatenate(
        [coord + v * 0.125, v, jnp.zeros((N, 2), f32)], axis=1)

    hn = h_ref[...]
    y = jnp.maximum(
        jnp.dot(hn.astype(bf16), wn1_ref[:F, :].astype(bf16),
                preferred_element_type=f32)
        + jnp.dot(aggn.astype(bf16), wn1_ref[F:, :].astype(bf16),
                  preferred_element_type=f32)
        + bn1_ref[...], 0.0)
    hout_ref[...] = (hn
                     + jnp.dot(y.astype(bf16), wn2_ref[...].astype(bf16),
                               preferred_element_type=f32)
                     + bn2_ref[...])


_dense_call = pl.pallas_call(
    _dense_body,
    out_shape=(jax.ShapeDtypeStruct((N, F), jnp.float32),
               jax.ShapeDtypeStruct((N, 8), jnp.float32)),
)


def kernel(h, edge_index, coord, vel, vel_init,
           We1, be1, We2, be2, Wn1, bn1, Wn2, bn2, Wc1, bc1, Wc2, bc2):
    del vel_init
    ei = edge_index.astype(jnp.int32)
    cv = jnp.concatenate(
        [coord, vel, jnp.zeros((N, 2), jnp.float32)], axis=1)

    hrow, hcol = _gather_call()(h, ei.reshape(2 * E))

    h_new, cvout = _dense_call(
        hrow, hcol, ei,
        h, cv,
        We1, be1[None],
        We2, be2[None], Wc1, bc1[None], Wc2.T, bc2[None],
        Wn1, bn1[None], Wn2, bn2[None])

    return (h_new, cvout[:, :3], cvout[:, 3:6])

# --- scband reference (transcript-rebuilt; emitter-appended) ---
"""Pipeline reference for scband-segno-gcl-75591424410042 (READ-ONLY COPY).

The authoritative reference and input builder live on the scoring server;
editing this copy changes nothing except your own understanding.
"""

import jax, jax.numpy as jnp
import numpy as np

N = 500
E = 2000
F_IN = 128
HID = 128
NL = 8


def _init_linear(key, fan_in, fan_out):
    k1, k2 = jax.random.split(key)
    bound = 1.0 / np.sqrt(fan_in)
    W = jax.random.uniform(k1, (fan_in, fan_out), minval=-bound, maxval=bound, dtype=jnp.float32)
    b = jax.random.uniform(k2, (fan_out,), minval=-bound, maxval=bound, dtype=jnp.float32)
    return W, b


def setup_inputs(seed: int = 0) -> dict:
    key = jax.random.key(seed)
    ks = jax.random.split(key, 12)
    h = jax.random.normal(ks[0], (N, F_IN), dtype=jnp.float32)
    edge_index = jax.random.randint(ks[1], (2, E), 0, N, dtype=jnp.int64) if jax.config.read('jax_enable_x64') else jax.random.randint(ks[1], (2, E), 0, N, dtype=jnp.int32)
    coord = jax.random.normal(ks[2], (N, 3), dtype=jnp.float32)
    vel = jax.random.normal(ks[3], (N, 3), dtype=jnp.float32)
    vel_init = jax.random.normal(ks[4], (N, 3), dtype=jnp.float32)
    We1, be1 = _init_linear(ks[5], 2 * F_IN + 1, HID)
    We2, be2 = _init_linear(ks[6], HID, HID)
    Wn1, bn1 = _init_linear(ks[7], HID + F_IN, HID)
    Wn2, bn2 = _init_linear(ks[8], HID, F_IN)
    Wc1, bc1 = _init_linear(ks[9], HID, HID)
    Wc2, bc2 = _init_linear(ks[10], HID, 1)
    Wc2 = Wc2 * 0.001  # mimic xavier_uniform_ gain=0.001 scale on final coord layer
    return dict(h=h, edge_index=edge_index, coord=coord, vel=vel, vel_init=vel_init,
                We1=We1, be1=be1, We2=We2, be2=be2,
                Wn1=Wn1, bn1=bn1, Wn2=Wn2, bn2=bn2,
                Wc1=Wc1, bc1=bc1, Wc2=Wc2, bc2=bc2)


def reference(h, edge_index, coord, vel, vel_init,
              We1, be1, We2, be2, Wn1, bn1, Wn2, bn2, Wc1, bc1, Wc2, bc2):
    row = edge_index[0]
    col = edge_index[1]
    # coord2radial
    coord_diff = coord[row] - coord[col]
    radial = jnp.sum(coord_diff ** 2, axis=1, keepdims=True)
    # edge_model (edge_attr is None)
    e_in = jnp.concatenate([h[row], h[col], radial], axis=1)
    edge_feat = jax.nn.relu(e_in @ We1 + be1)
    edge_feat = jax.nn.relu(edge_feat @ We2 + be2)
    # coord_model
    cm = jax.nn.relu(edge_feat @ Wc1 + bc1) @ Wc2 + bc2
    trans = jnp.clip(coord_diff * cm, -100.0, 100.0)
    # unsorted_segment_mean via hardcoded M[500, 2000] as in original
    M = jnp.zeros((N, E), dtype=jnp.float32).at[row, jnp.arange(E)].set(1.0)
    M = M / jnp.maximum(jnp.sum(jnp.abs(M), axis=1, keepdims=True), 1e-12)
    agg_c = (M @ trans) * 1.0  # coords_weight = 1.0
    v = vel + agg_c * (1.0 / NL)
    coord_new = coord + v * (1.0 / NL)
    # node_model (node_attr is None)
    agg_n = jax.ops.segment_sum(edge_feat, row, num_segments=N)
    n_in = jnp.concatenate([h, agg_n], axis=1)
    out = jax.nn.relu(n_in @ Wn1 + bn1) @ Wn2 + bn2
    h_new = h + out  # recurrent=True
    return (h_new, coord_new, v)

if __name__ == "__main__":
    import jax
    _d = setup_inputs()
    print(jax.jit(kernel)(*tuple(_d.values())))

</pallas_src>

<mosaic_0001>
#map = affine_map<(d0, d1) -> (0, 0)>
#map1 = affine_map<(d0, d1) -> (0)>
module attributes {stable_mosaic.version = 14 : i64} {
  func.func @_gather_body(%arg0: i32, %arg1: i32, %arg2: memref<500x128xf32, #tpu.memory_space<hbm>>, %arg3: memref<4000xi32, #tpu.memory_space<hbm>>, %arg4: memref<2000x128xf32, #tpu.memory_space<hbm>>, %arg5: memref<2000x128xf32, #tpu.memory_space<hbm>>, %arg6: memref<128xi32, #tpu.memory_space<vmem>>, %arg7: memref<128xi32, #tpu.memory_space<vmem>>, %arg8: memref<128x128xf32, #tpu.memory_space<vmem>>, %arg9: memref<128x128xf32, #tpu.memory_space<vmem>>, %arg10: memref<!tpu.dma_semaphore, #tpu.memory_space<semaphore_mem>>, %arg11: memref<!tpu.dma_semaphore, #tpu.memory_space<semaphore_mem>>) attributes {dimension_semantics = [#tpu.dimension_semantics<core_parallel>, #tpu.dimension_semantics<subcore_parallel>], iteration_bounds = array<i64: 1, 16>, scalar_prefetch = 0 : i64, scratch_operands = 6 : i64, tpu.core_type = #tpu.core_type<sc_vector_subcore>, window_params = [{transform_indices = #map}, {transform_indices = #map1}, {transform_indices = #map}, {transform_indices = #map}]} {
    %mul3A = arith.constant 128 : i32
    %mul3A_0 = arith.muli %arg1, %mul3A : i32
    %min3A = arith.constant 1872 : i32
    %min3A_1 = arith.minsi %mul3A_0, %min3A : i32
    %dma_start3A = tpu.memref_slice %arg3[%min3A_1] : memref<4000xi32, #tpu.memory_space<hbm>> -> memref<128xi32, #tpu.memory_space<hbm>>
    %dma_start3A_2 = tpu.memref_slice %arg3[%min3A_1] : memref<4000xi32, #tpu.memory_space<hbm>> -> memref<128xi32, #tpu.memory_space<hbm>>
    tpu.enqueue_dma source(%dma_start3A_2 : memref<128xi32, #tpu.memory_space<hbm>>) target(%arg6 : memref<128xi32, #tpu.memory_space<vmem>>) target_semaphore(%arg10 : memref<!tpu.dma_semaphore, #tpu.memory_space<semaphore_mem>>)
    %add3A = arith.constant 2000 : i32
    %add3A_3 = arith.addi %add3A, %min3A_1 : i32
    %dma_start3A_4 = tpu.memref_slice %arg3[%add3A_3] : memref<4000xi32, #tpu.memory_space<hbm>> -> memref<128xi32, #tpu.memory_space<hbm>>
    %dma_start3A_5 = tpu.memref_slice %arg3[%add3A_3] : memref<4000xi32, #tpu.memory_space<hbm>> -> memref<128xi32, #tpu.memory_space<hbm>>
    tpu.enqueue_dma source(%dma_start3A_5 : memref<128xi32, #tpu.memory_space<hbm>>) target(%arg7 : memref<128xi32, #tpu.memory_space<vmem>>) target_semaphore(%arg11 : memref<!tpu.dma_semaphore, #tpu.memory_space<semaphore_mem>>)
    %dma_wait3A = tpu.memref_slice %arg3[%min3A_1] : memref<4000xi32, #tpu.memory_space<hbm>> -> memref<128xi32, #tpu.memory_space<hbm>>
    %dma_wait3A_6 = tpu.memref_slice %arg3[%min3A_1] : memref<4000xi32, #tpu.memory_space<hbm>> -> memref<128xi32, #tpu.memory_space<hbm>>
    tpu.wait_dma2 semaphore(%arg10 : memref<!tpu.dma_semaphore, #tpu.memory_space<semaphore_mem>>) src(%dma_wait3A_6 : memref<128xi32, #tpu.memory_space<hbm>>) dst(%arg6 : memref<128xi32, #tpu.memory_space<vmem>>)
    %dma_start3A_7 = arith.constant 0 : i32
    %dma_start3A_8 = arith.constant 0 : i32
    %dma_start3A_9 = tpu.memref_slice %arg2[%dma_start3A_7, %dma_start3A_8] : memref<500x128xf32, #tpu.memory_space<hbm>> -> memref<500x128xf32, #tpu.memory_space<hbm>>
    tpu.enqueue_indirect_dma source(%dma_start3A_9 : memref<500x128xf32, #tpu.memory_space<hbm>>) target(%arg8 : memref<128x128xf32, #tpu.memory_space<vmem>>) offsets(%arg6 : memref<128xi32, #tpu.memory_space<vmem>>) semaphore(%arg10 : memref<!tpu.dma_semaphore, #tpu.memory_space<semaphore_mem>>)
    %dma_wait3A_10 = tpu.memref_slice %arg3[%add3A_3] : memref<4000xi32, #tpu.memory_space<hbm>> -> memref<128xi32, #tpu.memory_space<hbm>>
    %dma_wait3A_11 = tpu.memref_slice %arg3[%add3A_3] : memref<4000xi32, #tpu.memory_space<hbm>> -> memref<128xi32, #tpu.memory_space<hbm>>
    tpu.wait_dma2 semaphore(%arg11 : memref<!tpu.dma_semaphore, #tpu.memory_space<semaphore_mem>>) src(%dma_wait3A_11 : memref<128xi32, #tpu.memory_space<hbm>>) dst(%arg7 : memref<128xi32, #tpu.memory_space<vmem>>)
    %dma_start3A_12 = arith.constant 0 : i32
    %dma_start3A_13 = arith.constant 0 : i32
    %dma_start3A_14 = tpu.memref_slice %arg2[%dma_start3A_12, %dma_start3A_13] : memref<500x128xf32, #tpu.memory_space<hbm>> -> memref<500x128xf32, #tpu.memory_space<hbm>>
    tpu.enqueue_indirect_dma source(%dma_start3A_14 : memref<500x128xf32, #tpu.memory_space<hbm>>) target(%arg9 : memref<128x128xf32, #tpu.memory_space<vmem>>) offsets(%arg7 : memref<128xi32, #tpu.memory_space<vmem>>) semaphore(%arg11 : memref<!tpu.dma_semaphore, #tpu.memory_space<semaphore_mem>>)
    %dma_wait3A_15 = arith.constant 0 : i32
    %dma_wait3A_16 = arith.constant 0 : i32
    %dma_wait3A_17 = tpu.memref_slice %arg2[%dma_wait3A_15, %dma_wait3A_16] : memref<500x128xf32, #tpu.memory_space<hbm>> -> memref<500x128xf32, #tpu.memory_space<hbm>>
    tpu.wait_indirect_dma semaphore(%arg10 : memref<!tpu.dma_semaphore, #tpu.memory_space<semaphore_mem>>) src(%dma_wait3A_17 : memref<500x128xf32, #tpu.memory_space<hbm>>) dst(%arg8 : memref<128x128xf32, #tpu.memory_space<vmem>>)
    %dma_start3A_18 = arith.constant 0 : i32
    %dma_start3A_19 = tpu.memref_slice %arg4[%min3A_1, %dma_start3A_18] : memref<2000x128xf32, #tpu.memory_space<hbm>> -> memref<128x128xf32, #tpu.memory_space<hbm>>
    %dma_start3A_20 = arith.constant 0 : i32
    %dma_start3A_21 = tpu.memref_slice %arg4[%min3A_1, %dma_start3A_20] : memref<2000x128xf32, #tpu.memory_space<hbm>> -> memref<128x128xf32, #tpu.memory_space<hbm>>
    tpu.enqueue_dma source(%arg8 : memref<128x128xf32, #tpu.memory_space<vmem>>) target(%dma_start3A_21 : memref<128x128xf32, #tpu.memory_space<hbm>>) target_semaphore(%arg10 : memref<!tpu.dma_semaphore, #tpu.memory_space<semaphore_mem>>)
    %dma_wait3A_22 = arith.constant 0 : i32
    %dma_wait3A_23 = arith.constant 0 : i32
    %dma_wait3A_24 = tpu.memref_slice %arg2[%dma_wait3A_22, %dma_wait3A_23] : memref<500x128xf32, #tpu.memory_space<hbm>> -> memref<500x128xf32, #tpu.memory_space<hbm>>
    tpu.wait_indirect_dma semaphore(%arg11 : memref<!tpu.dma_semaphore, #tpu.memory_space<semaphore_mem>>) src(%dma_wait3A_24 : memref<500x128xf32, #tpu.memory_space<hbm>>) dst(%arg9 : memref<128x128xf32, #tpu.memory_space<vmem>>)
    %dma_start3A_25 = arith.constant 0 : i32
    %dma_start3A_26 = tpu.memref_slice %arg5[%min3A_1, %dma_start3A_25] : memref<2000x128xf32, #tpu.memory_space<hbm>> -> memref<128x128xf32, #tpu.memory_space<hbm>>
    %dma_start3A_27 = arith.constant 0 : i32
    %dma_start3A_28 = tpu.memref_slice %arg5[%min3A_1, %dma_start3A_27] : memref<2000x128xf32, #tpu.memory_space<hbm>> -> memref<128x128xf32, #tpu.memory_space<hbm>>
    tpu.enqueue_dma source(%arg9 : memref<128x128xf32, #tpu.memory_space<vmem>>) target(%dma_start3A_28 : memref<128x128xf32, #tpu.memory_space<hbm>>) target_semaphore(%arg11 : memref<!tpu.dma_semaphore, #tpu.memory_space<semaphore_mem>>)
    %dma_wait3A_29 = arith.constant 0 : i32
    %dma_wait3A_30 = tpu.memref_slice %arg4[%min3A_1, %dma_wait3A_29] : memref<2000x128xf32, #tpu.memory_space<hbm>> -> memref<128x128xf32, #tpu.memory_space<hbm>>
    %dma_wait3A_31 = arith.constant 0 : i32
    %dma_wait3A_32 = tpu.memref_slice %arg4[%min3A_1, %dma_wait3A_31] : memref<2000x128xf32, #tpu.memory_space<hbm>> -> memref<128x128xf32, #tpu.memory_space<hbm>>
    tpu.wait_dma2 semaphore(%arg10 : memref<!tpu.dma_semaphore, #tpu.memory_space<semaphore_mem>>) src(%arg8 : memref<128x128xf32, #tpu.memory_space<vmem>>) dst(%dma_wait3A_32 : memref<128x128xf32, #tpu.memory_space<hbm>>)
    %dma_wait3A_33 = arith.constant 0 : i32
    %dma_wait3A_34 = tpu.memref_slice %arg5[%min3A_1, %dma_wait3A_33] : memref<2000x128xf32, #tpu.memory_space<hbm>> -> memref<128x128xf32, #tpu.memory_space<hbm>>
    %dma_wait3A_35 = arith.constant 0 : i32
    %dma_wait3A_36 = tpu.memref_slice %arg5[%min3A_1, %dma_wait3A_35] : memref<2000x128xf32, #tpu.memory_space<hbm>> -> memref<128x128xf32, #tpu.memory_space<hbm>>
    tpu.wait_dma2 semaphore(%arg11 : memref<!tpu.dma_semaphore, #tpu.memory_space<semaphore_mem>>) src(%arg9 : memref<128x128xf32, #tpu.memory_space<vmem>>) dst(%dma_wait3A_36 : memref<128x128xf32, #tpu.memory_space<hbm>>)
    return
  }
}

module attributes {stable_mosaic.version = 14 : i64} {
  func.func @_dense_body(%arg0: memref<2000x128xf32, #tpu.memory_space<vmem>>, %arg1: memref<2000x128xf32, #tpu.memory_space<vmem>>, %arg2: memref<2x2000xi32, #tpu.memory_space<vmem>>, %arg3: memref<500x128xf32, #tpu.memory_space<vmem>>, %arg4: memref<500x8xf32, #tpu.memory_space<vmem>>, %arg5: memref<257x128xf32, #tpu.memory_space<vmem>>, %arg6: memref<1x128xf32, #tpu.memory_space<vmem>>, %arg7: memref<128x128xf32, #tpu.memory_space<vmem>>, %arg8: memref<1x128xf32, #tpu.memory_space<vmem>>, %arg9: memref<128x128xf32, #tpu.memory_space<vmem>>, %arg10: memref<1x128xf32, #tpu.memory_space<vmem>>, %arg11: memref<1x128xf32, #tpu.memory_space<vmem>>, %arg12: memref<1x1xf32, #tpu.memory_space<vmem>>, %arg13: memref<256x128xf32, #tpu.memory_space<vmem>>, %arg14: memref<1x128xf32, #tpu.memory_space<vmem>>, %arg15: memref<128x128xf32, #tpu.memory_space<vmem>>, %arg16: memref<1x128xf32, #tpu.memory_space<vmem>>, %arg17: memref<500x128xf32, #tpu.memory_space<vmem>>, %arg18: memref<500x8xf32, #tpu.memory_space<vmem>>) attributes {dimension_semantics = [], scalar_prefetch = 0 : i64, scratch_operands = 0 : i64, tpu.core_type = #tpu.core_type<tc>} {
    %get3A = arith.constant 0 : index
    %get3A_0 = arith.constant 0 : index
    %get3A_1 = vector.load %arg0[%get3A, %get3A_0] : memref<2000x128xf32, #tpu.memory_space<vmem>>, vector<2000x128xf32>
    %convert_element_type3A = arith.truncf %get3A_1 : vector<2000x128xf32> to vector<2000x128xbf16>
    %get3A_2 = arith.constant 0 : index
    %get3A_3 = arith.constant 0 : index
    %get3A_4 = vector.load %arg1[%get3A_2, %get3A_3] : memref<2000x128xf32, #tpu.memory_space<vmem>>, vector<2000x128xf32>
    %convert_element_type3A_5 = arith.truncf %get3A_4 : vector<2000x128xf32> to vector<2000x128xbf16>
    %get3A_6 = arith.constant 0 : index
    %get3A_7 = arith.constant 0 : index
    %get3A_8 = vector.load %arg2[%get3A_6, %get3A_7] : memref<2x2000xi32, #tpu.memory_space<vmem>>, vector<1x2000xi32>
    %get3A_9 = arith.constant 1 : index
    %get3A_10 = arith.constant 0 : index
    %get3A_11 = vector.load %arg2[%get3A_9, %get3A_10] : memref<2x2000xi32, #tpu.memory_space<vmem>>, vector<1x2000xi32>
    %iota3A = tpu.iota {dimensions = array<i32: 1>} : vector<2000x512xi32>
    %reshape3A = vector.shape_cast %get3A_8 : vector<1x2000xi32> to vector<2000x1xi32>
    %eq3A = vector.broadcast %reshape3A : vector<2000x1xi32> to vector<2000x512xi32>
    %eq3A_12 = arith.cmpi eq, %iota3A, %eq3A : vector<2000x512xi32>
    %jit3A = arith.constant 1.000000e+00 : f32
    %jit3A_13 = arith.constant 0.000000e+00 : f32
    %broadcast_in_dim3A = vector.broadcast %jit3A : f32 to vector<2000x512xf32>
    %broadcast_in_dim3A_14 = vector.broadcast %jit3A_13 : f32 to vector<2000x512xf32>
    %select_n3A = arith.select %eq3A_12, %broadcast_in_dim3A, %broadcast_in_dim3A_14 : vector<2000x512xi1>, vector<2000x512xf32>
    %reshape3A_15 = vector.shape_cast %get3A_11 : vector<1x2000xi32> to vector<2000x1xi32>
    %eq3A_16 = vector.broadcast %reshape3A_15 : vector<2000x1xi32> to vector<2000x512xi32>
    %eq3A_17 = arith.cmpi eq, %iota3A, %eq3A_16 : vector<2000x512xi32>
    %jit3A_18 = arith.constant 1.000000e+00 : f32
    %jit3A_19 = arith.constant 0.000000e+00 : f32
    %broadcast_in_dim3A_20 = vector.broadcast %jit3A_18 : f32 to vector<2000x512xf32>
    %broadcast_in_dim3A_21 = vector.broadcast %jit3A_19 : f32 to vector<2000x512xf32>
    %select_n3A_22 = arith.select %eq3A_17, %broadcast_in_dim3A_20, %broadcast_in_dim3A_21 : vector<2000x512xi1>, vector<2000x512xf32>
    %sub3A = arith.subf %select_n3A, %select_n3A_22 : vector<2000x512xf32>
    %get3A_23 = arith.constant 0 : index
    %get3A_24 = arith.constant 0 : index
    %get3A_25 = vector.load %arg4[%get3A_23, %get3A_24] : memref<500x8xf32, #tpu.memory_space<vmem>>, vector<500x3xf32>
    %get3A_26 = arith.constant 0 : index
    %get3A_27 = arith.constant 3 : index
    %get3A_28 = vector.load %arg4[%get3A_26, %get3A_27] : memref<500x8xf32, #tpu.memory_space<vmem>>, vector<500x3xf32>
    %broadcast_in_dim3A_29 = arith.constant 0.000000e+00 : f32
    %broadcast_in_dim3A_30 = vector.broadcast %broadcast_in_dim3A_29 : f32 to vector<500x13xf32>
    %concatenate3A = tpu.concatenate %get3A_25, %broadcast_in_dim3A_30 in 1 : vector<500x3xf32>, vector<500x13xf32> -> vector<500x16xf32>
    %broadcast_in_dim3A_31 = arith.constant 0.000000e+00 : f32
    %broadcast_in_dim3A_32 = vector.broadcast %broadcast_in_dim3A_31 : f32 to vector<12x16xf32>
    %concatenate3A_33 = tpu.concatenate %concatenate3A, %broadcast_in_dim3A_32 in 0 : vector<500x16xf32>, vector<12x16xf32> -> vector<512x16xf32>
    %dot_general3A = arith.constant dense<0.000000e+00> : vector<2000x16xf32>
    %dot_general3A_34 = tpu.matmul %sub3A, %concatenate3A_33, %dot_general3A {dimension_numbers = #tpu.dot_dimension_numbers<[1], [0], [0], [1], [0, 0, 1, 1], [], []>, transpose_lhs_hint = false} : vector<2000x512xf32>, vector<512x16xf32>, vector<2000x16xf32> -> vector<2000x16xf32>
    %slice3A = vector.extract_strided_slice %dot_general3A_34 {offsets = [0, 0], sizes = [2000, 3], strides = [1, 1]} : vector<2000x16xf32> to vector<2000x3xf32>
    %mul3A = arith.mulf %slice3A, %slice3A : vector<2000x3xf32>
    %reduce_sum3A = arith.constant dense<0.000000e+00> : vector<2000xf32>
    %reduce_sum3A_35 = vector.multi_reduction <add>, %mul3A, %reduce_sum3A [1] : vector<2000x3xf32> to vector<2000xf32>
    %broadcast_in_dim3A_36 = vector.shape_cast %reduce_sum3A_35 : vector<2000xf32> to vector<2000x1xf32>
    %get3A_37 = arith.constant 0 : index
    %get3A_38 = arith.constant 0 : index
    %get3A_39 = vector.load %arg5[%get3A_37, %get3A_38] : memref<257x128xf32, #tpu.memory_space<vmem>>, vector<128x128xf32>
    %convert_element_type3A_40 = arith.truncf %get3A_39 : vector<128x128xf32> to vector<128x128xbf16>
    %dot_general3A_41 = arith.constant dense<0.000000e+00> : vector<2000x128xf32>
    %dot_general3A_42 = tpu.matmul %convert_element_type3A, %convert_element_type3A_40, %dot_general3A_41 {dimension_numbers = #tpu.dot_dimension_numbers<[1], [0], [0], [1], [0, 0, 1, 1], [], []>, transpose_lhs_hint = false} : vector<2000x128xbf16>, vector<128x128xbf16>, vector<2000x128xf32> -> vector<2000x128xf32>
    %get3A_43 = arith.constant 128 : index
    %get3A_44 = arith.constant 0 : index
    %get3A_45 = vector.load %arg5[%get3A_43, %get3A_44] : memref<257x128xf32, #tpu.memory_space<vmem>>, vector<128x128xf32>
    %convert_element_type3A_46 = arith.truncf %get3A_45 : vector<128x128xf32> to vector<128x128xbf16>
    %dot_general3A_47 = arith.constant dense<0.000000e+00> : vector<2000x128xf32>
    %dot_general3A_48 = tpu.matmul %convert_element_type3A_5, %convert_element_type3A_46, %dot_general3A_47 {dimension_numbers = #tpu.dot_dimension_numbers<[1], [0], [0], [1], [0, 0, 1, 1], [], []>, transpose_lhs_hint = false} : vector<2000x128xbf16>, vector<128x128xbf16>, vector<2000x128xf32> -> vector<2000x128xf32>
    %add3A = arith.addf %dot_general3A_42, %dot_general3A_48 : vector<2000x128xf32>
    %get3A_49 = arith.constant 256 : index
    %get3A_50 = arith.constant 0 : index
    %get3A_51 = vector.load %arg5[%get3A_49, %get3A_50] : memref<257x128xf32, #tpu.memory_space<vmem>>, vector<1x128xf32>
    %mul3A_52 = vector.broadcast %broadcast_in_dim3A_36 : vector<2000x1xf32> to vector<2000x128xf32>
    %mul3A_53 = vector.broadcast %get3A_51 : vector<1x128xf32> to vector<2000x128xf32>
    %mul3A_54 = arith.mulf %mul3A_52, %mul3A_53 : vector<2000x128xf32>
    %add3A_55 = arith.addf %add3A, %mul3A_54 : vector<2000x128xf32>
    %get3A_56 = arith.constant 0 : index
    %get3A_57 = arith.constant 0 : index
    %get3A_58 = vector.load %arg6[%get3A_56, %get3A_57] : memref<1x128xf32, #tpu.memory_space<vmem>>, vector<1x128xf32>
    %add3A_59 = vector.broadcast %get3A_58 : vector<1x128xf32> to vector<2000x128xf32>
    %add3A_60 = arith.addf %add3A_55, %add3A_59 : vector<2000x128xf32>
    %max3A = arith.constant 0.000000e+00 : f32
    %max3A_61 = vector.broadcast %max3A : f32 to vector<2000x128xf32>
    %max3A_62 = arith.maximumf %add3A_60, %max3A_61 : vector<2000x128xf32>
    %convert_element_type3A_63 = arith.truncf %max3A_62 : vector<2000x128xf32> to vector<2000x128xbf16>
    %get3A_64 = arith.constant 0 : index
    %get3A_65 = arith.constant 0 : index
    %get3A_66 = vector.load %arg7[%get3A_64, %get3A_65] : memref<128x128xf32, #tpu.memory_space<vmem>>, vector<128x128xf32>
    %convert_element_type3A_67 = arith.truncf %get3A_66 : vector<128x128xf32> to vector<128x128xbf16>
    %dot_general3A_68 = arith.constant dense<0.000000e+00> : vector<2000x128xf32>
    %dot_general3A_69 = tpu.matmul %convert_element_type3A_63, %convert_element_type3A_67, %dot_general3A_68 {dimension_numbers = #tpu.dot_dimension_numbers<[1], [0], [0], [1], [0, 0, 1, 1], [], []>, transpose_lhs_hint = false} : vector<2000x128xbf16>, vector<128x128xbf16>, vector<2000x128xf32> -> vector<2000x128xf32>
    %get3A_70 = arith.constant 0 : index
    %get3A_71 = arith.constant 0 : index
    %get3A_72 = vector.load %arg8[%get3A_70, %get3A_71] : memref<1x128xf32, #tpu.memory_space<vmem>>, vector<1x128xf32>
    %add3A_73 = vector.broadcast %get3A_72 : vector<1x128xf32> to vector<2000x128xf32>
    %add3A_74 = arith.addf %dot_general3A_69, %add3A_73 : vector<2000x128xf32>
    %max3A_75 = arith.constant 0.000000e+00 : f32
    %max3A_76 = vector.broadcast %max3A_75 : f32 to vector<2000x128xf32>
    %max3A_77 = arith.maximumf %add3A_74, %max3A_76 : vector<2000x128xf32>
    %convert_element_type3A_78 = arith.truncf %max3A_77 : vector<2000x128xf32> to vector<2000x128xbf16>
    %get3A_79 = arith.constant 0 : index
    %get3A_80 = arith.constant 0 : index
    %get3A_81 = vector.load %arg9[%get3A_79, %get3A_80] : memref<128x128xf32, #tpu.memory_space<vmem>>, vector<128x128xf32>
    %convert_element_type3A_82 = arith.truncf %get3A_81 : vector<128x128xf32> to vector<128x128xbf16>
    %dot_general3A_83 = arith.constant dense<0.000000e+00> : vector<2000x128xf32>
    %dot_general3A_84 = tpu.matmul %convert_element_type3A_78, %convert_element_type3A_82, %dot_general3A_83 {dimension_numbers = #tpu.dot_dimension_numbers<[1], [0], [0], [1], [0, 0, 1, 1], [], []>, transpose_lhs_hint = false} : vector<2000x128xbf16>, vector<128x128xbf16>, vector<2000x128xf32> -> vector<2000x128xf32>
    %get3A_85 = arith.constant 0 : index
    %get3A_86 = arith.constant 0 : index
    %get3A_87 = vector.load %arg10[%get3A_85, %get3A_86] : memref<1x128xf32, #tpu.memory_space<vmem>>, vector<1x128xf32>
    %add3A_88 = vector.broadcast %get3A_87 : vector<1x128xf32> to vector<2000x128xf32>
    %add3A_89 = arith.addf %dot_general3A_84, %add3A_88 : vector<2000x128xf32>
    %max3A_90 = arith.constant 0.000000e+00 : f32
    %max3A_91 = vector.broadcast %max3A_90 : f32 to vector<2000x128xf32>
    %max3A_92 = arith.maximumf %add3A_89, %max3A_91 : vector<2000x128xf32>
    %get3A_93 = arith.constant 0 : index
    %get3A_94 = arith.constant 0 : index
    %get3A_95 = vector.load %arg11[%get3A_93, %get3A_94] : memref<1x128xf32, #tpu.memory_space<vmem>>, vector<1x128xf32>
    %mul3A_96 = vector.broadcast %get3A_95 : vector<1x128xf32> to vector<2000x128xf32>
    %mul3A_97 = arith.mulf %max3A_92, %mul3A_96 : vector<2000x128xf32>
    %reduce_sum3A_98 = arith.constant dense<0.000000e+00> : vector<2000xf32>
    %reduce_sum3A_99 = vector.multi_reduction <add>, %mul3A_97, %reduce_sum3A_98 [1] : vector<2000x128xf32> to vector<2000xf32>
    %broadcast_in_dim3A_100 = vector.shape_cast %reduce_sum3A_99 : vector<2000xf32> to vector<2000x1xf32>
    %get3A_101 = arith.constant 0 : index
    %get3A_102 = arith.constant 0 : index
    %get3A_103 = vector.load %arg12[%get3A_101, %get3A_102] : memref<1x1xf32, #tpu.memory_space<vmem>>, vector<1x1xf32>
    %get3A_104 = vector.extract %get3A_103[0, 0] : f32 from vector<1x1xf32>
    %add3A_105 = vector.broadcast %get3A_104 : f32 to vector<2000x1xf32>
    %add3A_106 = arith.addf %broadcast_in_dim3A_100, %add3A_105 : vector<2000x1xf32>
    %mul3A_107 = vector.broadcast %add3A_106 : vector<2000x1xf32> to vector<2000x3xf32>
    %mul3A_108 = arith.mulf %slice3A, %mul3A_107 : vector<2000x3xf32>
    %jit3A_109 = arith.constant -1.000000e+02 : f32
    %jit3A_110 = arith.constant 1.000000e+02 : f32
    %max3A_111 = vector.broadcast %jit3A_109 : f32 to vector<2000x3xf32>
    %max3A_112 = arith.maximumf %max3A_111, %mul3A_108 : vector<2000x3xf32>
    %min3A = vector.broadcast %jit3A_110 : f32 to vector<2000x3xf32>
    %min3A_113 = arith.minimumf %min3A, %max3A_112 : vector<2000x3xf32>
    %broadcast_in_dim3A_114 = arith.constant 1.000000e+00 : bf16
    %broadcast_in_dim3A_115 = vector.broadcast %broadcast_in_dim3A_114 : bf16 to vector<2000x1xbf16>
    %convert_element_type3A_116 = arith.truncf %min3A_113 : vector<2000x3xf32> to vector<2000x3xbf16>
    %concatenate3A_117 = tpu.concatenate %convert_element_type3A_78, %convert_element_type3A_116, %broadcast_in_dim3A_115 in 1 : vector<2000x128xbf16>, vector<2000x3xbf16>, vector<2000x1xbf16> -> vector<2000x132xbf16>
    %iota3A_118 = tpu.iota {dimensions = array<i32: 0>} : vector<512x2000xi32>
    %eq3A_119 = vector.broadcast %get3A_8 : vector<1x2000xi32> to vector<512x2000xi32>
    %eq3A_120 = arith.cmpi eq, %iota3A_118, %eq3A_119 : vector<512x2000xi32>
    %jit3A_121 = arith.constant 1.000000e+00 : f32
    %jit3A_122 = arith.constant 0.000000e+00 : f32
    %broadcast_in_dim3A_123 = vector.broadcast %jit3A_121 : f32 to vector<512x2000xf32>
    %broadcast_in_dim3A_124 = vector.broadcast %jit3A_122 : f32 to vector<512x2000xf32>
    %select_n3A_125 = arith.select %eq3A_120, %broadcast_in_dim3A_123, %broadcast_in_dim3A_124 : vector<512x2000xi1>, vector<512x2000xf32>
    %convert_element_type3A_126 = arith.truncf %select_n3A_125 : vector<512x2000xf32> to vector<512x2000xbf16>
    %dot_general3A_127 = arith.constant dense<0.000000e+00> : vector<512x132xf32>
    %dot_general3A_128 = tpu.matmul %convert_element_type3A_126, %concatenate3A_117, %dot_general3A_127 {dimension_numbers = #tpu.dot_dimension_numbers<[1], [0], [0], [1], [0, 0, 1, 1], [], []>, transpose_lhs_hint = false} : vector<512x2000xbf16>, vector<2000x132xbf16>, vector<512x132xf32> -> vector<512x132xf32>
    %slice3A_129 = vector.extract_strided_slice %dot_general3A_128 {offsets = [0, 0], sizes = [500, 128], strides = [1, 1]} : vector<512x132xf32> to vector<500x128xf32>
    %slice3A_130 = vector.extract_strided_slice %dot_general3A_128 {offsets = [0, 128], sizes = [500, 3], strides = [1, 1]} : vector<512x132xf32> to vector<500x3xf32>
    %slice3A_131 = vector.extract_strided_slice %dot_general3A_128 {offsets = [0, 131], sizes = [500, 1], strides = [1, 1]} : vector<512x132xf32> to vector<500x1xf32>
    %max3A_132 = arith.constant 1.000000e+00 : f32
    %max3A_133 = vector.broadcast %max3A_132 : f32 to vector<500x1xf32>
    %max3A_134 = arith.maximumf %slice3A_131, %max3A_133 : vector<500x1xf32>
    %div3A = vector.broadcast %max3A_134 : vector<500x1xf32> to vector<500x3xf32>
    %div3A_135 = arith.divf %slice3A_130, %div3A : vector<500x3xf32>
    %mul3A_136 = arith.constant 1.250000e-01 : f32
    %mul3A_137 = vector.broadcast %mul3A_136 : f32 to vector<500x3xf32>
    %mul3A_138 = arith.mulf %div3A_135, %mul3A_137 : vector<500x3xf32>
    %add3A_139 = arith.addf %get3A_28, %mul3A_138 : vector<500x3xf32>
    %mul3A_140 = arith.constant 1.250000e-01 : f32
    %mul3A_141 = vector.broadcast %mul3A_140 : f32 to vector<500x3xf32>
    %mul3A_142 = arith.mulf %add3A_139, %mul3A_141 : vector<500x3xf32>
    %add3A_143 = arith.addf %get3A_25, %mul3A_142 : vector<500x3xf32>
    %broadcast_in_dim3A_144 = arith.constant 0.000000e+00 : f32
    %broadcast_in_dim3A_145 = vector.broadcast %broadcast_in_dim3A_144 : f32 to vector<500x2xf32>
    %concatenate3A_146 = tpu.concatenate %add3A_143, %add3A_139, %broadcast_in_dim3A_145 in 1 : vector<500x3xf32>, vector<500x3xf32>, vector<500x2xf32> -> vector<500x8xf32>
    %swap3A = arith.constant 0 : index
    %swap3A_147 = arith.constant 0 : index
    %swap3A_148 = vector.load %arg18[%swap3A, %swap3A_147] : memref<500x8xf32, #tpu.memory_space<vmem>>, vector<500x8xf32>
    tpu.vector_store %arg18[%swap3A, %swap3A_147], %concatenate3A_146 {strides = array<i32>} : memref<500x8xf32, #tpu.memory_space<vmem>>, vector<500x8xf32>,
    %get3A_149 = arith.constant 0 : index
    %get3A_150 = arith.constant 0 : index
    %get3A_151 = vector.load %arg3[%get3A_149, %get3A_150] : memref<500x128xf32, #tpu.memory_space<vmem>>, vector<500x128xf32>
    %convert_element_type3A_152 = arith.truncf %get3A_151 : vector<500x128xf32> to vector<500x128xbf16>
    %get3A_153 = arith.constant 0 : index
    %get3A_154 = arith.constant 0 : index
    %get3A_155 = vector.load %arg13[%get3A_153, %get3A_154] : memref<256x128xf32, #tpu.memory_space<vmem>>, vector<128x128xf32>
    %convert_element_type3A_156 = arith.truncf %get3A_155 : vector<128x128xf32> to vector<128x128xbf16>
    %dot_general3A_157 = arith.constant dense<0.000000e+00> : vector<500x128xf32>
    %dot_general3A_158 = tpu.matmul %convert_element_type3A_152, %convert_element_type3A_156, %dot_general3A_157 {dimension_numbers = #tpu.dot_dimension_numbers<[1], [0], [0], [1], [0, 0, 1, 1], [], []>, transpose_lhs_hint = false} : vector<500x128xbf16>, vector<128x128xbf16>, vector<500x128xf32> -> vector<500x128xf32>
    %convert_element_type3A_159 = arith.truncf %slice3A_129 : vector<500x128xf32> to vector<500x128xbf16>
    %get3A_160 = arith.constant 128 : index
    %get3A_161 = arith.constant 0 : index
    %get3A_162 = vector.load %arg13[%get3A_160, %get3A_161] : memref<256x128xf32, #tpu.memory_space<vmem>>, vector<128x128xf32>
    %convert_element_type3A_163 = arith.truncf %get3A_162 : vector<128x128xf32> to vector<128x128xbf16>
    %dot_general3A_164 = arith.constant dense<0.000000e+00> : vector<500x128xf32>
    %dot_general3A_165 = tpu.matmul %convert_element_type3A_159, %convert_element_type3A_163, %dot_general3A_164 {dimension_numbers = #tpu.dot_dimension_numbers<[1], [0], [0], [1], [0, 0, 1, 1], [], []>, transpose_lhs_hint = false} : vector<500x128xbf16>, vector<128x128xbf16>, vector<500x128xf32> -> vector<500x128xf32>
    %add3A_166 = arith.addf %dot_general3A_158, %dot_general3A_165 : vector<500x128xf32>
    %get3A_167 = arith.constant 0 : index
    %get3A_168 = arith.constant 0 : index
    %get3A_169 = vector.load %arg14[%get3A_167, %get3A_168] : memref<1x128xf32, #tpu.memory_space<vmem>>, vector<1x128xf32>
    %add3A_170 = vector.broadcast %get3A_169 : vector<1x128xf32> to vector<500x128xf32>
    %add3A_171 = arith.addf %add3A_166, %add3A_170 : vector<500x128xf32>
    %max3A_172 = arith.constant 0.000000e+00 : f32
    %max3A_173 = vector.broadcast %max3A_172 : f32 to vector<500x128xf32>
    %max3A_174 = arith.maximumf %add3A_171, %max3A_173 : vector<500x128xf32>
    %convert_element_type3A_175 = arith.truncf %max3A_174 : vector<500x128xf32> to vector<500x128xbf16>
    %get3A_176 = arith.constant 0 : index
    %get3A_177 = arith.constant 0 : index
    %get3A_178 = vector.load %arg15[%get3A_176, %get3A_177] : memref<128x128xf32, #tpu.memory_space<vmem>>, vector<128x128xf32>
    %convert_element_type3A_179 = arith.truncf %get3A_178 : vector<128x128xf32> to vector<128x128xbf16>
    %dot_general3A_180 = arith.constant dense<0.000000e+00> : vector<500x128xf32>
    %dot_general3A_181 = tpu.matmul %convert_element_type3A_175, %convert_element_type3A_179, %dot_general3A_180 {dimension_numbers = #tpu.dot_dimension_numbers<[1], [0], [0], [1], [0, 0, 1, 1], [], []>, transpose_lhs_hint = false} : vector<500x128xbf16>, vector<128x128xbf16>, vector<500x128xf32> -> vector<500x128xf32>
    %add3A_182 = arith.addf %get3A_151, %dot_general3A_181 : vector<500x128xf32>
    %get3A_183 = arith.constant 0 : index
    %get3A_184 = arith.constant 0 : index
    %get3A_185 = vector.load %arg16[%get3A_183, %get3A_184] : memref<1x128xf32, #tpu.memory_space<vmem>>, vector<1x128xf32>
    %add3A_186 = vector.broadcast %get3A_185 : vector<1x128xf32> to vector<500x128xf32>
    %add3A_187 = arith.addf %add3A_182, %add3A_186 : vector<500x128xf32>
    %swap3A_188 = arith.constant 0 : index
    %swap3A_189 = arith.constant 0 : index
    %swap3A_190 = vector.load %arg17[%swap3A_188, %swap3A_189] : memref<500x128xf32, #tpu.memory_space<vmem>>, vector<500x128xf32>
    tpu.vector_store %arg17[%swap3A_188, %swap3A_189], %add3A_187 {strides = array<i32>} : memref<500x128xf32, #tpu.memory_space<vmem>>, vector<500x128xf32>,
    return
  }
}

</mosaic_0001>

<sc_bundles>
// kernel: kernel.4.cloned.1.call-start
scs
__scs_entry_jumppad:
0x0: {  	(pc) =	sbr.rel $0x88, $3  }
0x1: {  	(tag) =	ssettag $0x0;
	lr =	simm.s32 $0x1  }
0x2: {  	[smem:$0x3F91] =	sst lr;
	_ =	strace $0xD0000000  }
0x3: {  	_ = 	snop  }
0x4: {  	_ = 	snop  }
0x5: {  	_ = 	snop  }
0x6: {  	_ = 	snop  }
0x7: {  	_ = 	snop  }
__scs_overlays_trampoline_lowered:
0x8: {  	[smem:$0x3FA0] =	sst s0  }
0x9: {  	[smem:$0x3FA1] =	sst s1  }
0xa: {  	[smem:$0x3FA2] =	sst s2  }
0xb: {  	[smem:$0x3FA3] =	sst s3  }
0xc: {  	[smem:$0x3FA4] =	sst s4  }
0xd: {  	[smem:$0x3FA5] =	sst s5  }
0xe: {  	[smem:$0x3FA6] =	sst s6  }
0xf: {  	[smem:$0x3FA7] =	sst s7  }
0x10: {  	[smem:$0x3FA8] =	sst s8  }
0x11: {  	[smem:$0x3FA9] =	sst s9;
	s0 =	simm.s32 @!p0 $0x0  }
0x12: {  	s1 =	sld [smem:$0x3F8F];
	s0 =	simm.s32 @p0 $0x1  }
0x13: {  	[smem:$0x3FAA] =	sst s0;
	s0 =	simm.s32 @!p1 $0x0  }
0x14: {  	s2 =	sld [smem:$0x3F8E];
	s0 =	simm.s32 @p1 $0x1  }
0x15: {  	[smem:$0x3FAB] =	sst s0;
	s0 =	simm.s32 @!p2 $0x0  }
0x16: {  	s3 =	sld [smem:$0x3FDB];
	s0 =	simm.s32 @p2 $0x1  }
0x17: {  	s4 =	simm.s32 $0x1BF5;
	[smem:$0x3FAD] =	sst s0  }
0x18: {  	s0 =	sld [smem:$0x3F90];
	_ =	swait.ge [sflag:s4], $0x0  }
0x19: {  	s7 =	sld [smem:$0x3F91]  }
0x1a: {  	s8 =	sadd.s32 $0xFFFFE003, lr  }
0x1b: {  	s9 =	sadd.s32 $0xFFFFFEF7, lr;
	s5 =	simm.s32 $0xFFFFFFFF;
	p2 =	slt.u32 s8, $0xFFFFF086  }
0x1c: {  	p1 =	slt.u32 s9, $0xF7A;
	s5 =	simm.s32 @!p2 $0x0  }
0x1d: {  	s5 =	simm.s32 @p1 $0x1;
	p0 =	seq.s32 s7, s2  }
0x1e: {  	s7 =	smul.u32 @!p0 $0xF7A, s2;
	p2 =	seq.s32 @!p0 s5, $0x0  }
0x1f: {  	s9 =	smul.u32 $0xF7A, s1;
	s8 =	simm.s32 @!p0 $0x1BF5;
	p2 =	por !p2, p0  }
0x20: {  	[sflag:s8] =	ssyncset.s32 @!p0 $0xFFFFF086;
	s6 =	sadd.s32 @!p0 s3, s7;
	s7 =	simm.s32 @!p0 $0x108  }
0x21: {  	s3 =	sadd.s32 s3, s9;
	s6 =	sadd.s32 @!p0 $0x88, s6;
	s7 =	simm.s32 @p2 $0x1082  }
0x22: {  	[simem:s7], [sflag:s8] =	dma.local @!p0 [hbm:s6], $0xF7A  }
0x23: {  	s9 =	sor.u32 $0xD0000000, s2;
	s6 =	simm.s32 $0x108;
	_ =	swait.ge @!p0 [sflag:s8], $0x0  }
0x24: {  	s3 =	sadd.s32 $0x88, s3;
	s6 =	simm.s32 @!p1 $0x1082;
	[sflag:s4] =	ssyncset.s32 $0xFFFFF086  }
0x25: {  	[simem:s6], [sflag:s4] =	dma.local [hbm:s3], $0xF7A  }
0x26: {  	[smem:$0x3F91] =	sst s1;
	(tag) =	ssettag s2;
	_ =	strace s9  }
0x27: {  	s1 =	sld [smem:$0x3FA1]  }
0x28: {  	s2 =	sld [smem:$0x3FA2]  }
0x29: {  	s4 =	sld [smem:$0x3FA4]  }
0x2a: {  	p0 =	seq.s32 s5, $0x0;
	s5 =	sld [smem:$0x3FA5]  }
0x2b: {  	s6 =	sld [smem:$0x3FA6]  }
0x2c: {  	s7 =	sld [smem:$0x3FA7]  }
0x2d: {  	s3 =	simm.s32 $0x108;
	s8 =	sld [smem:$0x3FA8]  }
0x2e: {  	s3 =	simm.s32 @!p0 $0x1082;
	s9 =	sld [smem:$0x3FA9]  }
0x2f: {  	lr =	sadd.s32 s0, s3;
	s0 =	sld [smem:$0x3FA0]  }
0x30: {  	s3 =	sld [smem:$0x3FA3]  }
0x31: {  	[smem:$0x3FAC] =	sst s10  }
0x32: {  	s10 =	sld [smem:$0x3FAA];
	_ =	sdelay $0x3  }
0x33: {  	p0 =	seq.s32 s10, $0x1;
	s10 =	sld [smem:$0x3FAC];
	_ =	sdelay $0x3  }
0x34: {  	[smem:$0x3FAC] =	sst s10  }
0x35: {  	s10 =	sld [smem:$0x3FAB];
	_ =	sdelay $0x3  }
0x36: {  	p1 =	seq.s32 s10, $0x1;
	s10 =	sld [smem:$0x3FAC];
	_ =	sdelay $0x3  }
0x37: {  	[smem:$0x3FAC] =	sst s10  }
0x38: {  	s10 =	sld [smem:$0x3FAD]  }
0x39: {  	_ = 	snop;
	(pc) =	sbr.ind lr, $3  }
0x3a: {  	_ = 	snop  }
0x3b: {  	_ = 	snop  }
0x3c: {  	p2 =	seq.s32 s10, $0x1;
	s10 =	sld [smem:$0x3FAC]  }
0x3d: {  	_ =	shalt  }
0x3e: {  	_ =	shalt  }
0x3f: {  	_ =	shalt  }
0x40: {  	_ =	shalt  }
0x41: {  	_ =	shalt  }
0x42: {  	_ =	shalt  }
0x43: {  	_ =	shalt  }
0x44: {  	_ =	shalt  }
0x45: {  	_ =	shalt  }
0x46: {  	_ =	shalt  }
0x47: {  	_ =	shalt  }
0x48: {  	_ =	shalt  }
0x49: {  	_ =	shalt  }
0x4a: {  	_ =	shalt  }
0x4b: {  	_ =	shalt  }
0x4c: {  	_ =	shalt  }
0x4d: {  	_ =	shalt  }
0x4e: {  	_ =	shalt  }
0x4f: {  	_ =	shalt  }
0x50: {  	_ =	shalt  }
0x51: {  	_ =	shalt  }
0x52: {  	_ =	shalt  }
0x53: {  	_ =	shalt  }
0x54: {  	_ =	shalt  }
0x55: {  	_ =	shalt  }
0x56: {  	_ =	shalt  }
0x57: {  	_ =	shalt  }
0x58: {  	_ =	shalt  }
0x59: {  	_ =	shalt  }
0x5a: {  	_ =	shalt  }
0x5b: {  	_ =	shalt  }
0x5c: {  	_ =	shalt  }
0x5d: {  	_ =	shalt  }
0x5e: {  	_ =	shalt  }
0x5f: {  	_ =	shalt  }
0x60: {  	_ =	shalt  }
0x61: {  	_ =	shalt  }
0x62: {  	_ =	shalt  }
0x63: {  	_ =	shalt  }
0x64: {  	_ =	shalt  }
0x65: {  	_ =	shalt  }
0x66: {  	_ =	shalt  }
0x67: {  	_ =	shalt  }
0x68: {  	_ =	shalt  }
0x69: {  	_ =	shalt  }
0x6a: {  	_ =	shalt  }
0x6b: {  	_ =	shalt  }
0x6c: {  	_ =	shalt  }
0x6d: {  	_ =	shalt  }
0x6e: {  	_ =	shalt  }
0x6f: {  	_ =	shalt  }
0x70: {  	_ =	shalt  }
0x71: {  	_ =	shalt  }
0x72: {  	_ =	shalt  }
0x73: {  	_ =	shalt  }
0x74: {  	_ =	shalt  }
0x75: {  	_ =	shalt  }
0x76: {  	_ =	shalt  }
0x77: {  	_ =	shalt  }
0x78: {  	_ =	shalt  }
0x79: {  	_ =	shalt  }
0x7a: {  	_ =	shalt  }
0x7b: {  	_ =	shalt  }
0x7c: {  	_ =	shalt  }
0x7d: {  	_ =	shalt  }
0x7e: {  	_ =	shalt  }
0x7f: {  	_ =	shalt  }
0x80: {  	_ =	shalt  }
0x81: {  	_ =	shalt  }
0x82: {  	_ =	shalt  }
0x83: {  	_ =	shalt  }
0x84: {  	_ =	shalt  }
0x85: {  	_ =	shalt  }
0x86: {  	_ =	shalt  }
0x87: {  	_ =	shalt  }
.Lfunc_end0:
.L_simem_size_0:
called_computation_lowered:
.L_overlay_start_0:
0x88: {  	s0 =	sld [smem:$0x3FD9]  }
0x89: {  	s1 =	sld [smem:$0x3FFE];
	_ =	sdelay $0x3  }
0x8a: {  	s0 =	sadd.s32 s1, s0  }
0x8b: {  	[smem:$0x3FB8] =	sst s0  }
0x8c: {  	_ = 	snop  }
0x8d: {  	s0 =	sld [smem:$0x3FD0];
	_ =	sdelay $0x2  }
0x8e: {  	s2 =	simm.s32 $0xA;
	s3 =	simm.s32 $0x10;
	s13 =	sld [smem:$0x3FC9]  }
0x8f: {  	[smem:s3], [sflag:s2] =	dma.local [hbm:s0], $0x1  }
0x90: {  	_ =	swait.eq [sflag:s2], $0x1  }
0x91: {  	[sflag:s2] =	ssyncset.done $0x0  }
0x92: {  	[sflag:s2] =	ssyncadd.s32 $0xFFFFFFFF  }
0x93: {  	s14 =	sld [smem:$0x10];
	(tm) =	ssettm $0x1  }
0x94: {  	s15 =	sld [smem:$0x3FFB];
	_ =	sdelay $0x3  }
0x95: {  	_ =	strace s15  }
0x96: {  	s2 =	sld [smem:$0x3FFC];
	_ =	sdelay $0x3  }
0x97: {  	_ =	strace s2  }
0x98: {  	s2 =	sld [smem:$0x3FFD];
	_ =	sdelay $0x3  }
0x99: {  	_ =	strace s2  }
0x9a: {  	_ =	strace $0x8FFFFFFF  }
0x9b: {  	s16 =	sld [smem:$0x3FDB];
	_ =	sdelay $0x1  }
0x9c: {  	s17 =	simm.s32 $_scs_section_size  }
0x9d: {  	s4 =	simm.s32 $_size__tile_overlayer_lowered;
	s5 =	simm.s32 $_tile_overlayer_lowered  }
0x9e: {  	s20 =	simm.s32 $0x1BFF;
	s19 =	sshll.u32 s5, $0x1;
	s2 =	sadd.s32 s17, s16  }
0x9f: {  	s6 =	simm.s32 $0x0;
	s18 =	sshll.u32 s4, $0x1;
	s4 =	sadd.s32 s19, s2  }
0xa0: {  	[timem:s6], [sflag:s20] =	dma.local [hbm:s4], s18  }
0xa1: {  	_ =	swait.ge [sflag:s20], s18  }
0xa2: {  	s3 =	ssub.s32 $0x0, s18;
	[sflag:s20] =	ssyncset.done $0x0  }
0xa3: {  	[sflag:s20] =	ssyncadd.s32 s3;
	_ =	sdelay $0x1  }
0xa4: {  	s21 =	simm.s32 $0x1B8B  }
0xa5: {  	_ =	swait.ge [sflag:s21], $0x1  }
0xa6: {  	[sflag:s21] =	ssyncset.done $0x0  }
0xa7: {  	s23 =	simm.s32 $0x1B8E;
	s22 =	sld [smem:$0x3FFE];
	[sflag:s21] =	ssyncadd.s32 $0xFFFFFFFF  }
0xa8: {  	s24 =	simm.s32 $execute0_lowered;
	[smem:$0x3FD2] =	sst s23  }
0xa9: {  	s4 =	sshll.u32 s24, $0x1;
	_ =	strace $0x80000046;
	[dreg:$0x1] =	wrdreg $0xFFFFFFFF  }
0xaa: {  	s25 =	simm.s32 $_size_execute0_lowered;
	s2 =	sadd.s32 s2, s4;
	[dreg:$0x0] =	wrdreg $0x0  }
0xab: {  	s4 =	sshll.u32 s25, $0x1;
	[dreg:$0x2] =	wrdreg s2  }
0xac: {  	[dreg:$0x3] =	wrdreg s4  }
0xad: {  	[dreg:$0x4] =	wrdreg $0xC0  }
0xae: {  	_ =	task [dreg:s6], $0x5FFFF  }
0xaf: {  	[dreg:$0x1] =	wrdreg $0xFFFFFFFF  }
0xb0: {  	[dreg:$0x0] =	wrdreg $0x60  }
0xb1: {  	[dreg:$0x2] =	wrdreg s13  }
0xb2: {  	[dreg:$0x3] =	wrdreg s14  }
0xb3: {  	[dreg:$0x4] =	wrdreg s22  }
0xb4: {  	[dreg:$0x5] =	wrdreg $0x9  }
0xb5: {  	_ =	task.clear_ibuf [dreg:s6], $0x6FFFF;
	_ =	strace $0x90000046  }
0xb6: {  	s26 =	simm.s32 $0x9;
	_ =	strace $0x80000048  }
0xb7: {  	_ =	swait.ge [sflag:s26], $0x1  }
0xb8: {  	[sflag:s26] =	ssyncadd.s32 $0xFFFFFFFF  }
0xb9: {  	_ =	strace $0x90000048  }
0xba: {  	_ =	sfence  }
0xbb: {  	s28 =	sld [smem:$0x0];
	_ =	sdelay $0x1  }
0xbc: {  	s29 =	srdreg.scid  }
0xbd: {  	s30 =	sshll.u32 s29, $0xD;
	s31 =	sshrl.u32 s29, $0x2  }
0xbe: {  	s1 =	sand.u32 $0x1, s29;
	s2 =	sand.u32 $0x4000, s30;
	s0 =	sadd.s32 s31, s28  }
0xbf: {  	s1 =	sor.u32 s2, s1;
	s0 =	sshll.u32 s0, $0x11  }
0xc0: {  	s0 =	sor.u32 s0, s1  }
0xc1: {  	s0 =	sadd.s32 $0x8F2B, s0  }
0xc2: {  	[sflag:s0] =	ssyncadd.remote.s32 $0x1  }
0xc3: {  	_ =	sfence.sel $0xFFFF  }
0xc4: {  	[dreg:$0x0] =	wrdreg $0xFFFFFFFF;
	(pc) =	sbr.abs _section_cstart, $3  }
0xc5: {  	[dreg:$0x1] =	wrdreg $0xFFFFFFFF  }
0xc6: {  	_ =	task.clear_ibuf [dreg:s6], $0x2FFFF;
	_ =	strace $0x9FFFFFFF  }
0xc7: {  	(tm) =	ssettm $0x7FFFFFFF  }
tec
execute0_lowered:
.L_overlay_start_1:
0x0: {  	(tag) =	ssettag $0x1  }
0x1: {  	s0 =	rddreg [dreg:$0x0];
	s2 =	stileid.u32  }
0x2: {  	s1 =	rddreg [dreg:$0x1];
	s4 =	sshll.u32 s2, $0x7  }
0x3: {  	s3 =	rddreg [dreg:$0x2];
	s6 =	simm.s32 $0x0;
	s4 =	smin.u32 s4, $0x750  }
0x4: {  	[smem:$0x7FF] =	sst s6;
	s7 =	sshrl.u32 s4, $0x3  }
0x5: {  	s5 =	rddreg [dreg:$0x3];
	_ =	strace $0x80000047;
	s1 =	sadd.s32 s1, s7  }
0x6: {  	[tilespmem:s6], [sflag:$0x1] =	stream.linear.gather [hbm4b:s1+s6], $0x80, $0x38;
	[tilespmem:$0x8100] =	vst v63  }
0x7: {  	s29 =	simm.s32 $0x80;
	s30 =	simm.s32 $0x1;
	s1 =	sadd.s32 $0xFA, s1  }
0x8: {  	[tilespmem:s29], [sflag:$0x2] =	stream.linear.gather [hbm4b:s1+s6], $0x80, $0x38;
	[tilespmem:$0x8100] =	vst v63  }
0x9: {  	_ =	swait.ge [sflag:s30], $0x80  }
0xa: {  	[sflag:s30] =	ssyncset.done $0x0  }
0xb: {  	s8 =	simm.s32 $0x100;
	s9 =	simm.s32 $0x2;
	[sflag:s30] =	ssyncadd.s32 $0xFFFFFF80  }
0xc: {  	[tilespmem:s8], [sflag:$0x1] =	stream.indirect.gather [hbm4b:s0+s29], $0x80, s6, s29, $0xb8;
	[tilespmem:$0x8100] =	vst v63  }
0xd: {  	_ =	swait.ge [sflag:s9], $0x80  }
0xe: {  	[sflag:s9] =	ssyncset.done $0x0  }
0xf: {  	s10 =	simm.s32 $0x4100;
	[sflag:s9] =	ssyncadd.s32 $0xFFFFFF80  }
0x10: {  	[tilespmem:s10], [sflag:$0x2] =	stream.indirect.gather [hbm4b:s0+s29], $0x80, s29, s29, $0xb8;
	[tilespmem:$0x8100] =	vst v63  }
0x11: {  	s31 =	sshll.u32 s4, $0x4;
	_ =	swait.ge [sflag:s30], $0x4000  }
0x12: {  	s0 =	sadd.s32 s31, s3;
	[sflag:s30] =	ssyncset.done $0x0  }
0x13: {  	s3 =	sadd.s32 $0x2E00, s0;
	[sflag:s30] =	ssyncadd.s32 $0xFFFFC000  }
0x14: {  	[hbm4b:s3+s6] =	stream.linear.scatter [tilespmem:s8], [sflag:$0x1], $0x4000, $0x38;
	[tilespmem:$0x8100] =	vst v63  }
0x15: {  	_ =	swait.ge [sflag:s9], $0x4000  }
0x16: {  	[sflag:s9] =	ssyncset.done $0x0  }
0x17: {  	s0 =	sadd.s32 $0xAC00, s0;
	[sflag:s9] =	ssyncadd.s32 $0xFFFFC000  }
0x18: {  	[hbm4b:s0+s6] =	stream.linear.scatter [tilespmem:s10], [sflag:$0x2], $0x4000, $0x38;
	[tilespmem:$0x8100] =	vst v63  }
0x19: {  	_ =	swait.ge [sflag:s30], $0x4000  }
0x1a: {  	[sflag:s30] =	ssyncset.done $0x0  }
0x1b: {  	[sflag:s30] =	ssyncadd.s32 $0xFFFFC000  }
0x1c: {  	_ =	swait.ge [sflag:s9], $0x4000  }
0x1d: {  	[sflag:s9] =	ssyncset.done $0x0  }
0x1e: {  	[sflag:s9] =	ssyncadd.s32 $0xFFFFC000  }
0x1f: {  	_ =	sfence.sel $0x180000  }
0x20: {  	[bflag:$0x0] =	sbarrier.arrive $0xFFFF  }
0x21: {  	p0 =	sne.s32 s2, $0x0;
	_ =	strace $0x90000047  }
0x22: {  	s0 =	sadd.s32 @!p0 $0x100000, s5;
	[bflag:$0x2] =	sbarrier.arrive $0xFFFF  }
0x23: {  	[sflag:s0] =	ssyncadd.tile.s32 @!p0 $0x1;
	_ =	shalt  }
.Lfunc_end2:
_tile_overlayer_lowered:
.L_overlay_start_2:
0x24: {  	(tag) =	ssettag $0x2  }
0x25: {  	s0 =	rddreg [dreg:$0x0];
	s2 =	stileid.u32  }
0x26: {  	s1 =	rddreg [dreg:$0x1];
	p0 =	sne.s32 s2, $0x0  }
0x27: {  	s3 =	rddreg [dreg:$0x2];
	[bflag:$0x3] =	sbarrier.arrive $0xFFFF;
	s2 =	simm.s32 @!p0 $0x1C03  }
0x28: {  	[timem:s3], [sflag:s2] =	dma.local @!p0 [hbm:s0], s1  }
0x29: {  	s0 =	simm.s32 @!p0 $0x3  }
0x2a: {  	_ =	swait.ge @!p0 [sflag:s0], s1  }
0x2b: {  	s1 =	ssub.s32 @!p0 $0x0, s1;
	[sflag:s0] =	ssyncset.done @!p0 $0x0  }
0x2c: {  	[sflag:s0] =	ssyncadd.s32 @!p0 s1  }
0x2d: {  	[bflag:$0x3] =	sbarrier.arrive $0xFFFF  }
0x2e: {  	_ =	shalt  }

</sc_bundles>
